<compile_context>
chip_gen: v7x
topology: tpu7x:2x2x1
jax: 0.10.2.dev20260603
libtpu: 0.0.44.dev20260713+nightly
codegen_flags: <defaults>
</compile_context>

<pallas_src>
import functools

import jax
import jax.numpy as jnp
from jax import lax
from jax.experimental import pallas as pl
from jax.experimental.pallas import tpu as pltpu
from jax.experimental.pallas import tpu_sc as plsc

D = 128
NW = 32
BBLK = 128
GROUP = 2


def _make_gather(batch: int, fields: int):
    n_groups = fields // GROUP
    half = n_groups // 2
    mesh = plsc.VectorSubcoreMesh(core_axis_name="c", subcore_axis_name="s")

    @functools.partial(
        pl.kernel,
        mesh=mesh,
        out_type=jax.ShapeDtypeStruct((fields, batch, D), jnp.float32),
        scratch_types=[
            pltpu.VMEM((fields, BBLK), jnp.int32),
            pltpu.VMEM((GROUP, BBLK, D), jnp.float32),
            pltpu.VMEM((GROUP, BBLK, D), jnp.float32),
            pltpu.SemaphoreType.DMA,
            pltpu.SemaphoreType.DMA,
        ],
        compiler_params=pltpu.CompilerParams(use_tc_tiling_on_sc=True, skip_device_barrier=True),
    )
    def gather_kernel(idx_hbm, table_hbm, out_hbm, idx_v, rows_a, rows_b,
                      sem_a, sem_b):
        wid = lax.axis_index("s") * 2 + lax.axis_index("c")
        b0 = wid * BBLK
        pltpu.sync_copy(idx_hbm.at[:, pl.ds(b0, BBLK)], idx_v)

        def gathers(g, buf, sem):
            return [pltpu.make_async_copy(
                        table_hbm.at[idx_v.at[g * GROUP + j]],
                        buf.at[j],
                        sem)
                    for j in range(GROUP)]

        def fire(g, buf, sem):
            for cp in gathers(g, buf, sem):
                cp.start()

        def drain(g, buf, sem):
            for cp in gathers(g, buf, sem):
                cp.wait()

        def write_out(g, buf):
            pltpu.sync_copy(buf, out_hbm.at[pl.ds(g * GROUP, GROUP),
                                            pl.ds(b0, BBLK)])

        fire(0, rows_a, sem_a)

        def body(h, carry):
            g = 2 * h
            fire(g + 1, rows_b, sem_b)
            drain(g, rows_a, sem_a)
            write_out(g, rows_a)
            fire(g + 2, rows_a, sem_a)
            drain(g + 1, rows_b, sem_b)
            write_out(g + 1, rows_b)
            return carry

        lax.fori_loop(0, half - 1, body, 0)

        g = n_groups - 2
        fire(g + 1, rows_b, sem_b)
        drain(g, rows_a, sem_a)
        write_out(g, rows_a)
        drain(g + 1, rows_b, sem_b)
        write_out(g + 1, rows_b)

    return gather_kernel


def kernel(indices, table):
    batch, fields = indices.shape
    idx_t = indices.T.astype(jnp.int32)
    out_t = _make_gather(batch, fields)(idx_t, table)
    return out_t.transpose(1, 0, 2)

# --- scband reference (transcript-rebuilt; emitter-appended) ---
"""Pipeline reference for scband-embedding-snps-17291538334462 (READ-ONLY COPY).

The authoritative reference and input builder live on the scoring server;
editing this copy changes nothing except your own understanding.
"""

import jax, jax.numpy as jnp
import numpy as np

NB_SNPS = 100000
EMBED = 128
BATCH = 4096
FIELDS = 100

def setup_inputs(seed: int = 0) -> dict:
    key = jax.random.key(seed)
    k_idx, k_tab = jax.random.split(key)
    indices = jax.random.randint(k_idx, (BATCH, FIELDS), 0, NB_SNPS * 2, dtype=jnp.int64 if jax.config.jax_enable_x64 else jnp.int32)
    table = jax.random.normal(k_tab, (NB_SNPS * 2, EMBED), dtype=jnp.float32) * 0.02
    return {"indices": indices, "table": table}

def reference(indices, table):
    # nn.Embedding forward: row gather from the embedding table
    return jnp.take(table, indices, axis=0)

if __name__ == "__main__":
    import jax
    _d = setup_inputs()
    print(jax.jit(kernel)(*tuple(_d.values())))

</pallas_src>

<mosaic_0001>
#map = affine_map<(d0, d1) -> (0, 0)>
#map1 = affine_map<(d0, d1) -> (0, 0, 0)>
module attributes {stable_mosaic.version = 14 : i64} {
  func.func @gather_kernel(%arg0: i32, %arg1: i32, %arg2: memref<100x4096xi32, #tpu.memory_space<hbm>>, %arg3: memref<200000x128xf32, #tpu.memory_space<hbm>>, %arg4: memref<100x4096x128xf32, #tpu.memory_space<hbm>>, %arg5: memref<100x128xi32, #tpu.memory_space<vmem>>, %arg6: memref<2x128x128xf32, #tpu.memory_space<vmem>>, %arg7: memref<2x128x128xf32, #tpu.memory_space<vmem>>, %arg8: memref<!tpu.dma_semaphore, #tpu.memory_space<semaphore_mem>>, %arg9: memref<!tpu.dma_semaphore, #tpu.memory_space<semaphore_mem>>) attributes {dimension_semantics = [#tpu.dimension_semantics<core_parallel>, #tpu.dimension_semantics<subcore_parallel>], iteration_bounds = array<i64: 2, 16>, scalar_prefetch = 0 : i64, scratch_operands = 5 : i64, tpu.core_type = #tpu.core_type<sc_vector_subcore>, window_params = [{transform_indices = #map}, {transform_indices = #map}, {transform_indices = #map1}]} {
    %mul3A = arith.constant 2 : i32
    %mul3A_0 = arith.muli %arg1, %mul3A : i32
    %add3A = arith.addi %mul3A_0, %arg0 : i32
    %mul3A_1 = arith.constant 128 : i32
    %mul3A_2 = arith.muli %add3A, %mul3A_1 : i32
    "tpu.region"() ({
      %run_scoped3A = tpu.sem_alloc : memref<!tpu.dma_semaphore, #tpu.memory_space<semaphore_mem>>
      %dma_start3A_102 = arith.constant 0 : i32
      %dma_start3A_103 = tpu.memref_slice %arg2[%dma_start3A_102, %mul3A_2] : memref<100x4096xi32, #tpu.memory_space<hbm>> -> memref<100x128xi32, #tpu.memory_space<hbm>>
      %dma_start3A_104 = arith.constant 0 : i32
      %dma_start3A_105 = tpu.memref_slice %arg2[%dma_start3A_104, %mul3A_2] : memref<100x4096xi32, #tpu.memory_space<hbm>> -> memref<100x128xi32, #tpu.memory_space<hbm>>
      tpu.enqueue_dma source(%dma_start3A_105 : memref<100x128xi32, #tpu.memory_space<hbm>>) target(%arg5 : memref<100x128xi32, #tpu.memory_space<vmem>>) target_semaphore(%run_scoped3A : memref<!tpu.dma_semaphore, #tpu.memory_space<semaphore_mem>>)
      %dma_wait3A_106 = arith.constant 0 : i32
      %dma_wait3A_107 = tpu.memref_slice %arg2[%dma_wait3A_106, %mul3A_2] : memref<100x4096xi32, #tpu.memory_space<hbm>> -> memref<100x128xi32, #tpu.memory_space<hbm>>
      %dma_wait3A_108 = arith.constant 0 : i32
      %dma_wait3A_109 = tpu.memref_slice %arg2[%dma_wait3A_108, %mul3A_2] : memref<100x4096xi32, #tpu.memory_space<hbm>> -> memref<100x128xi32, #tpu.memory_space<hbm>>
      tpu.wait_dma2 semaphore(%run_scoped3A : memref<!tpu.dma_semaphore, #tpu.memory_space<semaphore_mem>>) src(%dma_wait3A_109 : memref<100x128xi32, #tpu.memory_space<hbm>>) dst(%arg5 : memref<100x128xi32, #tpu.memory_space<vmem>>)
      tpu.yield
    }) : () -> ()
    %dma_start3A = arith.constant 0 : i32
    %dma_start3A_3 = arith.constant 0 : i32
    %dma_start3A_4 = arith.constant 0 : i32
    %dma_start3A_5 = arith.constant 0 : i32
    %dma_start3A_6 = tpu.memref_slice %arg6[%dma_start3A_3, %dma_start3A_4, %dma_start3A_5] : memref<2x128x128xf32, #tpu.memory_space<vmem>> -> memref<1x128x128xf32, #tpu.memory_space<vmem>>
    %dma_start3A_7 = tpu.memref_squeeze %dma_start3A_6 : memref<1x128x128xf32, #tpu.memory_space<vmem>> -> memref<128x128xf32, #tpu.memory_space<vmem>>
    %dma_start3A_8 = arith.constant 0 : i32
    %dma_start3A_9 = tpu.memref_slice %arg5[%dma_start3A, %dma_start3A_8] : memref<100x128xi32, #tpu.memory_space<vmem>> -> memref<1x128xi32, #tpu.memory_space<vmem>>
    %dma_start3A_10 = tpu.memref_squeeze %dma_start3A_9 : memref<1x128xi32, #tpu.memory_space<vmem>> -> memref<128xi32, #tpu.memory_space<vmem>>
    %dma_start3A_11 = arith.constant 0 : i32
    %dma_start3A_12 = arith.constant 0 : i32
    %dma_start3A_13 = tpu.memref_slice %arg3[%dma_start3A_11, %dma_start3A_12] : memref<200000x128xf32, #tpu.memory_space<hbm>> -> memref<200000x128xf32, #tpu.memory_space<hbm>>
    tpu.enqueue_indirect_dma source(%dma_start3A_13 : memref<200000x128xf32, #tpu.memory_space<hbm>>) target(%dma_start3A_7 : memref<128x128xf32, #tpu.memory_space<vmem>>) offsets(%dma_start3A_10 : memref<128xi32, #tpu.memory_space<vmem>>) semaphore(%arg8 : memref<!tpu.dma_semaphore, #tpu.memory_space<semaphore_mem>>)
    %dma_start3A_14 = arith.constant 1 : i32
    %dma_start3A_15 = arith.constant 1 : i32
    %dma_start3A_16 = arith.constant 0 : i32
    %dma_start3A_17 = arith.constant 0 : i32
    %dma_start3A_18 = tpu.memref_slice %arg6[%dma_start3A_15, %dma_start3A_16, %dma_start3A_17] : memref<2x128x128xf32, #tpu.memory_space<vmem>> -> memref<1x128x128xf32, #tpu.memory_space<vmem>>
    %dma_start3A_19 = tpu.memref_squeeze %dma_start3A_18 : memref<1x128x128xf32, #tpu.memory_space<vmem>> -> memref<128x128xf32, #tpu.memory_space<vmem>>
    %dma_start3A_20 = arith.constant 0 : i32
    %dma_start3A_21 = tpu.memref_slice %arg5[%dma_start3A_14, %dma_start3A_20] : memref<100x128xi32, #tpu.memory_space<vmem>> -> memref<1x128xi32, #tpu.memory_space<vmem>>
    %dma_start3A_22 = tpu.memref_squeeze %dma_start3A_21 : memref<1x128xi32, #tpu.memory_space<vmem>> -> memref<128xi32, #tpu.memory_space<vmem>>
    %dma_start3A_23 = arith.constant 0 : i32
    %dma_start3A_24 = arith.constant 0 : i32
    %dma_start3A_25 = tpu.memref_slice %arg3[%dma_start3A_23, %dma_start3A_24] : memref<200000x128xf32, #tpu.memory_space<hbm>> -> memref<200000x128xf32, #tpu.memory_space<hbm>>
    tpu.enqueue_indirect_dma source(%dma_start3A_25 : memref<200000x128xf32, #tpu.memory_space<hbm>>) target(%dma_start3A_19 : memref<128x128xf32, #tpu.memory_space<vmem>>) offsets(%dma_start3A_22 : memref<128xi32, #tpu.memory_space<vmem>>) semaphore(%arg8 : memref<!tpu.dma_semaphore, #tpu.memory_space<semaphore_mem>>)
    %scan3A = arith.constant 0 : i32
    %scan3A_26 = arith.constant 0 : i32
    %scan3A_27 = arith.constant 24 : i32
    %scan3A_28 = arith.addi %scan3A_26, %scan3A_27 : i32
    %scan3A_29 = arith.constant 1 : i32
    scf.for %scan3A_102 = %scan3A_26 to %scan3A_28 step %scan3A_29  : i32 {
      %mul3A_103 = arith.constant 2 : i32
      %mul3A_104 = arith.muli %mul3A_103, %scan3A_102 : i32
      %add3A_105 = arith.constant 1 : i32
      %add3A_106 = arith.addi %mul3A_104, %add3A_105 : i32
      %mul3A_107 = arith.constant 2 : i32
      %mul3A_108 = arith.muli %add3A_106, %mul3A_107 : i32
      %add3A_109 = arith.constant 0 : i32
      %add3A_110 = arith.addi %mul3A_108, %add3A_109 : i32
      %mul3A_111 = arith.constant 2 : i32
      %mul3A_112 = arith.muli %add3A_106, %mul3A_111 : i32
      %add3A_113 = arith.constant 1 : i32
      %add3A_114 = arith.addi %mul3A_112, %add3A_113 : i32
      %dma_start3A_115 = arith.constant 0 : i32
      %dma_start3A_116 = arith.constant 0 : i32
      %dma_start3A_117 = arith.constant 0 : i32
      %dma_start3A_118 = tpu.memref_slice %arg7[%dma_start3A_115, %dma_start3A_116, %dma_start3A_117] : memref<2x128x128xf32, #tpu.memory_space<vmem>> -> memref<1x128x128xf32, #tpu.memory_space<vmem>>
      %dma_start3A_119 = tpu.memref_squeeze %dma_start3A_118 : memref<1x128x128xf32, #tpu.memory_space<vmem>> -> memref<128x128xf32, #tpu.memory_space<vmem>>
      %dma_start3A_120 = arith.constant 0 : i32
      %dma_start3A_121 = tpu.memref_slice %arg5[%add3A_110, %dma_start3A_120] : memref<100x128xi32, #tpu.memory_space<vmem>> -> memref<1x128xi32, #tpu.memory_space<vmem>>
      %dma_start3A_122 = tpu.memref_squeeze %dma_start3A_121 : memref<1x128xi32, #tpu.memory_space<vmem>> -> memref<128xi32, #tpu.memory_space<vmem>>
      %dma_start3A_123 = arith.constant 0 : i32
      %dma_start3A_124 = arith.constant 0 : i32
      %dma_start3A_125 = tpu.memref_slice %arg3[%dma_start3A_123, %dma_start3A_124] : memref<200000x128xf32, #tpu.memory_space<hbm>> -> memref<200000x128xf32, #tpu.memory_space<hbm>>
      tpu.enqueue_indirect_dma source(%dma_start3A_125 : memref<200000x128xf32, #tpu.memory_space<hbm>>) target(%dma_start3A_119 : memref<128x128xf32, #tpu.memory_space<vmem>>) offsets(%dma_start3A_122 : memref<128xi32, #tpu.memory_space<vmem>>) semaphore(%arg9 : memref<!tpu.dma_semaphore, #tpu.memory_space<semaphore_mem>>)
      %dma_start3A_126 = arith.constant 1 : i32
      %dma_start3A_127 = arith.constant 0 : i32
      %dma_start3A_128 = arith.constant 0 : i32
      %dma_start3A_129 = tpu.memref_slice %arg7[%dma_start3A_126, %dma_start3A_127, %dma_start3A_128] : memref<2x128x128xf32, #tpu.memory_space<vmem>> -> memref<1x128x128xf32, #tpu.memory_space<vmem>>
      %dma_start3A_130 = tpu.memref_squeeze %dma_start3A_129 : memref<1x128x128xf32, #tpu.memory_space<vmem>> -> memref<128x128xf32, #tpu.memory_space<vmem>>
      %dma_start3A_131 = arith.constant 0 : i32
      %dma_start3A_132 = tpu.memref_slice %arg5[%add3A_114, %dma_start3A_131] : memref<100x128xi32, #tpu.memory_space<vmem>> -> memref<1x128xi32, #tpu.memory_space<vmem>>
      %dma_start3A_133 = tpu.memref_squeeze %dma_start3A_132 : memref<1x128xi32, #tpu.memory_space<vmem>> -> memref<128xi32, #tpu.memory_space<vmem>>
      %dma_start3A_134 = arith.constant 0 : i32
      %dma_start3A_135 = arith.constant 0 : i32
      %dma_start3A_136 = tpu.memref_slice %arg3[%dma_start3A_134, %dma_start3A_135] : memref<200000x128xf32, #tpu.memory_space<hbm>> -> memref<200000x128xf32, #tpu.memory_space<hbm>>
      tpu.enqueue_indirect_dma source(%dma_start3A_136 : memref<200000x128xf32, #tpu.memory_space<hbm>>) target(%dma_start3A_130 : memref<128x128xf32, #tpu.memory_space<vmem>>) offsets(%dma_start3A_133 : memref<128xi32, #tpu.memory_space<vmem>>) semaphore(%arg9 : memref<!tpu.dma_semaphore, #tpu.memory_space<semaphore_mem>>)
      %mul3A_137 = arith.constant 2 : i32
      %mul3A_138 = arith.muli %mul3A_104, %mul3A_137 : i32
      %add3A_139 = arith.constant 0 : i32
      %add3A_140 = arith.addi %mul3A_138, %add3A_139 : i32
      %mul3A_141 = arith.constant 2 : i32
      %mul3A_142 = arith.muli %mul3A_104, %mul3A_141 : i32
      %add3A_143 = arith.constant 1 : i32
      %add3A_144 = arith.addi %mul3A_142, %add3A_143 : i32
      %dma_wait3A_145 = arith.constant 0 : i32
      %dma_wait3A_146 = arith.constant 0 : i32
      %dma_wait3A_147 = arith.constant 0 : i32
      %dma_wait3A_148 = tpu.memref_slice %arg6[%dma_wait3A_145, %dma_wait3A_146, %dma_wait3A_147] : memref<2x128x128xf32, #tpu.memory_space<vmem>> -> memref<1x128x128xf32, #tpu.memory_space<vmem>>
      %dma_wait3A_149 = tpu.memref_squeeze %dma_wait3A_148 : memref<1x128x128xf32, #tpu.memory_space<vmem>> -> memref<128x128xf32, #tpu.memory_space<vmem>>
      %dma_wait3A_150 = arith.constant 0 : i32
      %dma_wait3A_151 = tpu.memref_slice %arg5[%add3A_140, %dma_wait3A_150] : memref<100x128xi32, #tpu.memory_space<vmem>> -> memref<1x128xi32, #tpu.memory_space<vmem>>
      %dma_wait3A_152 = tpu.memref_squeeze %dma_wait3A_151 : memref<1x128xi32, #tpu.memory_space<vmem>> -> memref<128xi32, #tpu.memory_space<vmem>>
      %dma_wait3A_153 = arith.constant 0 : i32
      %dma_wait3A_154 = arith.constant 0 : i32
      %dma_wait3A_155 = tpu.memref_slice %arg3[%dma_wait3A_153, %dma_wait3A_154] : memref<200000x128xf32, #tpu.memory_space<hbm>> -> memref<200000x128xf32, #tpu.memory_space<hbm>>
      tpu.wait_indirect_dma semaphore(%arg8 : memref<!tpu.dma_semaphore, #tpu.memory_space<semaphore_mem>>) src(%dma_wait3A_155 : memref<200000x128xf32, #tpu.memory_space<hbm>>) dst(%dma_wait3A_149 : memref<128x128xf32, #tpu.memory_space<vmem>>)
      %dma_wait3A_156 = arith.constant 1 : i32
      %dma_wait3A_157 = arith.constant 0 : i32
      %dma_wait3A_158 = arith.constant 0 : i32
      %dma_wait3A_159 = tpu.memref_slice %arg6[%dma_wait3A_156, %dma_wait3A_157, %dma_wait3A_158] : memref<2x128x128xf32, #tpu.memory_space<vmem>> -> memref<1x128x128xf32, #tpu.memory_space<vmem>>
      %dma_wait3A_160 = tpu.memref_squeeze %dma_wait3A_159 : memref<1x128x128xf32, #tpu.memory_space<vmem>> -> memref<128x128xf32, #tpu.memory_space<vmem>>
      %dma_wait3A_161 = arith.constant 0 : i32
      %dma_wait3A_162 = tpu.memref_slice %arg5[%add3A_144, %dma_wait3A_161] : memref<100x128xi32, #tpu.memory_space<vmem>> -> memref<1x128xi32, #tpu.memory_space<vmem>>
      %dma_wait3A_163 = tpu.memref_squeeze %dma_wait3A_162 : memref<1x128xi32, #tpu.memory_space<vmem>> -> memref<128xi32, #tpu.memory_space<vmem>>
      %dma_wait3A_164 = arith.constant 0 : i32
      %dma_wait3A_165 = arith.constant 0 : i32
      %dma_wait3A_166 = tpu.memref_slice %arg3[%dma_wait3A_164, %dma_wait3A_165] : memref<200000x128xf32, #tpu.memory_space<hbm>> -> memref<200000x128xf32, #tpu.memory_space<hbm>>
      tpu.wait_indirect_dma semaphore(%arg8 : memref<!tpu.dma_semaphore, #tpu.memory_space<semaphore_mem>>) src(%dma_wait3A_166 : memref<200000x128xf32, #tpu.memory_space<hbm>>) dst(%dma_wait3A_160 : memref<128x128xf32, #tpu.memory_space<vmem>>)
      %mul3A_167 = arith.constant 2 : i32
      %mul3A_168 = arith.muli %mul3A_104, %mul3A_167 : i32
      "tpu.region"() ({
        %run_scoped3A = tpu.sem_alloc : memref<!tpu.dma_semaphore, #tpu.memory_space<semaphore_mem>>
        %dma_start3A_237 = arith.constant 0 : i32
        %dma_start3A_238 = tpu.memref_slice %arg4[%mul3A_168, %mul3A_2, %dma_start3A_237] : memref<100x4096x128xf32, #tpu.memory_space<hbm>> -> memref<2x128x128xf32, #tpu.memory_space<hbm>>
        %dma_start3A_239 = arith.constant 0 : i32
        %dma_start3A_240 = tpu.memref_slice %arg4[%mul3A_168, %mul3A_2, %dma_start3A_239] : memref<100x4096x128xf32, #tpu.memory_space<hbm>> -> memref<2x128x128xf32, #tpu.memory_space<hbm>>
        tpu.enqueue_dma source(%arg6 : memref<2x128x128xf32, #tpu.memory_space<vmem>>) target(%dma_start3A_240 : memref<2x128x128xf32, #tpu.memory_space<hbm>>) target_semaphore(%run_scoped3A : memref<!tpu.dma_semaphore, #tpu.memory_space<semaphore_mem>>)
        %dma_wait3A_241 = arith.constant 0 : i32
        %dma_wait3A_242 = tpu.memref_slice %arg4[%mul3A_168, %mul3A_2, %dma_wait3A_241] : memref<100x4096x128xf32, #tpu.memory_space<hbm>> -> memref<2x128x128xf32, #tpu.memory_space<hbm>>
        %dma_wait3A_243 = arith.constant 0 : i32
        %dma_wait3A_244 = tpu.memref_slice %arg4[%mul3A_168, %mul3A_2, %dma_wait3A_243] : memref<100x4096x128xf32, #tpu.memory_space<hbm>> -> memref<2x128x128xf32, #tpu.memory_space<hbm>>
        tpu.wait_dma2 semaphore(%run_scoped3A : memref<!tpu.dma_semaphore, #tpu.memory_space<semaphore_mem>>) src(%arg6 : memref<2x128x128xf32, #tpu.memory_space<vmem>>) dst(%dma_wait3A_244 : memref<2x128x128xf32, #tpu.memory_space<hbm>>)
        tpu.yield
      }) : () -> ()
      %add3A_169 = arith.constant 2 : i32
      %add3A_170 = arith.addi %mul3A_104, %add3A_169 : i32
      %mul3A_171 = arith.constant 2 : i32
      %mul3A_172 = arith.muli %add3A_170, %mul3A_171 : i32
      %add3A_173 = arith.constant 0 : i32
      %add3A_174 = arith.addi %mul3A_172, %add3A_173 : i32
      %mul3A_175 = arith.constant 2 : i32
      %mul3A_176 = arith.muli %add3A_170, %mul3A_175 : i32
      %add3A_177 = arith.constant 1 : i32
      %add3A_178 = arith.addi %mul3A_176, %add3A_177 : i32
      %dma_start3A_179 = arith.constant 0 : i32
      %dma_start3A_180 = arith.constant 0 : i32
      %dma_start3A_181 = arith.constant 0 : i32
      %dma_start3A_182 = tpu.memref_slice %arg6[%dma_start3A_179, %dma_start3A_180, %dma_start3A_181] : memref<2x128x128xf32, #tpu.memory_space<vmem>> -> memref<1x128x128xf32, #tpu.memory_space<vmem>>
      %dma_start3A_183 = tpu.memref_squeeze %dma_start3A_182 : memref<1x128x128xf32, #tpu.memory_space<vmem>> -> memref<128x128xf32, #tpu.memory_space<vmem>>
      %dma_start3A_184 = arith.constant 0 : i32
      %dma_start3A_185 = tpu.memref_slice %arg5[%add3A_174, %dma_start3A_184] : memref<100x128xi32, #tpu.memory_space<vmem>> -> memref<1x128xi32, #tpu.memory_space<vmem>>
      %dma_start3A_186 = tpu.memref_squeeze %dma_start3A_185 : memref<1x128xi32, #tpu.memory_space<vmem>> -> memref<128xi32, #tpu.memory_space<vmem>>
      %dma_start3A_187 = arith.constant 0 : i32
      %dma_start3A_188 = arith.constant 0 : i32
      %dma_start3A_189 = tpu.memref_slice %arg3[%dma_start3A_187, %dma_start3A_188] : memref<200000x128xf32, #tpu.memory_space<hbm>> -> memref<200000x128xf32, #tpu.memory_space<hbm>>
      tpu.enqueue_indirect_dma source(%dma_start3A_189 : memref<200000x128xf32, #tpu.memory_space<hbm>>) target(%dma_start3A_183 : memref<128x128xf32, #tpu.memory_space<vmem>>) offsets(%dma_start3A_186 : memref<128xi32, #tpu.memory_space<vmem>>) semaphore(%arg8 : memref<!tpu.dma_semaphore, #tpu.memory_space<semaphore_mem>>)
      %dma_start3A_190 = arith.constant 1 : i32
      %dma_start3A_191 = arith.constant 0 : i32
      %dma_start3A_192 = arith.constant 0 : i32
      %dma_start3A_193 = tpu.memref_slice %arg6[%dma_start3A_190, %dma_start3A_191, %dma_start3A_192] : memref<2x128x128xf32, #tpu.memory_space<vmem>> -> memref<1x128x128xf32, #tpu.memory_space<vmem>>
      %dma_start3A_194 = tpu.memref_squeeze %dma_start3A_193 : memref<1x128x128xf32, #tpu.memory_space<vmem>> -> memref<128x128xf32, #tpu.memory_space<vmem>>
      %dma_start3A_195 = arith.constant 0 : i32
      %dma_start3A_196 = tpu.memref_slice %arg5[%add3A_178, %dma_start3A_195] : memref<100x128xi32, #tpu.memory_space<vmem>> -> memref<1x128xi32, #tpu.memory_space<vmem>>
      %dma_start3A_197 = tpu.memref_squeeze %dma_start3A_196 : memref<1x128xi32, #tpu.memory_space<vmem>> -> memref<128xi32, #tpu.memory_space<vmem>>
      %dma_start3A_198 = arith.constant 0 : i32
      %dma_start3A_199 = arith.constant 0 : i32
      %dma_start3A_200 = tpu.memref_slice %arg3[%dma_start3A_198, %dma_start3A_199] : memref<200000x128xf32, #tpu.memory_space<hbm>> -> memref<200000x128xf32, #tpu.memory_space<hbm>>
      tpu.enqueue_indirect_dma source(%dma_start3A_200 : memref<200000x128xf32, #tpu.memory_space<hbm>>) target(%dma_start3A_194 : memref<128x128xf32, #tpu.memory_space<vmem>>) offsets(%dma_start3A_197 : memref<128xi32, #tpu.memory_space<vmem>>) semaphore(%arg8 : memref<!tpu.dma_semaphore, #tpu.memory_space<semaphore_mem>>)
      %add3A_201 = arith.constant 1 : i32
      %add3A_202 = arith.addi %mul3A_104, %add3A_201 : i32
      %mul3A_203 = arith.constant 2 : i32
      %mul3A_204 = arith.muli %add3A_202, %mul3A_203 : i32
      %add3A_205 = arith.constant 0 : i32
      %add3A_206 = arith.addi %mul3A_204, %add3A_205 : i32
      %mul3A_207 = arith.constant 2 : i32
      %mul3A_208 = arith.muli %add3A_202, %mul3A_207 : i32
      %add3A_209 = arith.constant 1 : i32
      %add3A_210 = arith.addi %mul3A_208, %add3A_209 : i32
      %dma_wait3A_211 = arith.constant 0 : i32
      %dma_wait3A_212 = arith.constant 0 : i32
      %dma_wait3A_213 = arith.constant 0 : i32
      %dma_wait3A_214 = tpu.memref_slice %arg7[%dma_wait3A_211, %dma_wait3A_212, %dma_wait3A_213] : memref<2x128x128xf32, #tpu.memory_space<vmem>> -> memref<1x128x128xf32, #tpu.memory_space<vmem>>
      %dma_wait3A_215 = tpu.memref_squeeze %dma_wait3A_214 : memref<1x128x128xf32, #tpu.memory_space<vmem>> -> memref<128x128xf32, #tpu.memory_space<vmem>>
      %dma_wait3A_216 = arith.constant 0 : i32
      %dma_wait3A_217 = tpu.memref_slice %arg5[%add3A_206, %dma_wait3A_216] : memref<100x128xi32, #tpu.memory_space<vmem>> -> memref<1x128xi32, #tpu.memory_space<vmem>>
      %dma_wait3A_218 = tpu.memref_squeeze %dma_wait3A_217 : memref<1x128xi32, #tpu.memory_space<vmem>> -> memref<128xi32, #tpu.memory_space<vmem>>
      %dma_wait3A_219 = arith.constant 0 : i32
      %dma_wait3A_220 = arith.constant 0 : i32
      %dma_wait3A_221 = tpu.memref_slice %arg3[%dma_wait3A_219, %dma_wait3A_220] : memref<200000x128xf32, #tpu.memory_space<hbm>> -> memref<200000x128xf32, #tpu.memory_space<hbm>>
      tpu.wait_indirect_dma semaphore(%arg9 : memref<!tpu.dma_semaphore, #tpu.memory_space<semaphore_mem>>) src(%dma_wait3A_221 : memref<200000x128xf32, #tpu.memory_space<hbm>>) dst(%dma_wait3A_215 : memref<128x128xf32, #tpu.memory_space<vmem>>)
      %dma_wait3A_222 = arith.constant 1 : i32
      %dma_wait3A_223 = arith.constant 0 : i32
      %dma_wait3A_224 = arith.constant 0 : i32
      %dma_wait3A_225 = tpu.memref_slice %arg7[%dma_wait3A_222, %dma_wait3A_223, %dma_wait3A_224] : memref<2x128x128xf32, #tpu.memory_space<vmem>> -> memref<1x128x128xf32, #tpu.memory_space<vmem>>
      %dma_wait3A_226 = tpu.memref_squeeze %dma_wait3A_225 : memref<1x128x128xf32, #tpu.memory_space<vmem>> -> memref<128x128xf32, #tpu.memory_space<vmem>>
      %dma_wait3A_227 = arith.constant 0 : i32
      %dma_wait3A_228 = tpu.memref_slice %arg5[%add3A_210, %dma_wait3A_227] : memref<100x128xi32, #tpu.memory_space<vmem>> -> memref<1x128xi32, #tpu.memory_space<vmem>>
      %dma_wait3A_229 = tpu.memref_squeeze %dma_wait3A_228 : memref<1x128xi32, #tpu.memory_space<vmem>> -> memref<128xi32, #tpu.memory_space<vmem>>
      %dma_wait3A_230 = arith.constant 0 : i32
      %dma_wait3A_231 = arith.constant 0 : i32
      %dma_wait3A_232 = tpu.memref_slice %arg3[%dma_wait3A_230, %dma_wait3A_231] : memref<200000x128xf32, #tpu.memory_space<hbm>> -> memref<200000x128xf32, #tpu.memory_space<hbm>>
      tpu.wait_indirect_dma semaphore(%arg9 : memref<!tpu.dma_semaphore, #tpu.memory_space<semaphore_mem>>) src(%dma_wait3A_232 : memref<200000x128xf32, #tpu.memory_space<hbm>>) dst(%dma_wait3A_226 : memref<128x128xf32, #tpu.memory_space<vmem>>)
      %add3A_233 = arith.constant 1 : i32
      %add3A_234 = arith.addi %mul3A_104, %add3A_233 : i32
      %mul3A_235 = arith.constant 2 : i32
      %mul3A_236 = arith.muli %add3A_234, %mul3A_235 : i32
      "tpu.region"() ({
        %run_scoped3A = tpu.sem_alloc : memref<!tpu.dma_semaphore, #tpu.memory_space<semaphore_mem>>
        %dma_start3A_237 = arith.constant 0 : i32
        %dma_start3A_238 = tpu.memref_slice %arg4[%mul3A_236, %mul3A_2, %dma_start3A_237] : memref<100x4096x128xf32, #tpu.memory_space<hbm>> -> memref<2x128x128xf32, #tpu.memory_space<hbm>>
        %dma_start3A_239 = arith.constant 0 : i32
        %dma_start3A_240 = tpu.memref_slice %arg4[%mul3A_236, %mul3A_2, %dma_start3A_239] : memref<100x4096x128xf32, #tpu.memory_space<hbm>> -> memref<2x128x128xf32, #tpu.memory_space<hbm>>
        tpu.enqueue_dma source(%arg7 : memref<2x128x128xf32, #tpu.memory_space<vmem>>) target(%dma_start3A_240 : memref<2x128x128xf32, #tpu.memory_space<hbm>>) target_semaphore(%run_scoped3A : memref<!tpu.dma_semaphore, #tpu.memory_space<semaphore_mem>>)
        %dma_wait3A_241 = arith.constant 0 : i32
        %dma_wait3A_242 = tpu.memref_slice %arg4[%mul3A_236, %mul3A_2, %dma_wait3A_241] : memref<100x4096x128xf32, #tpu.memory_space<hbm>> -> memref<2x128x128xf32, #tpu.memory_space<hbm>>
        %dma_wait3A_243 = arith.constant 0 : i32
        %dma_wait3A_244 = tpu.memref_slice %arg4[%mul3A_236, %mul3A_2, %dma_wait3A_243] : memref<100x4096x128xf32, #tpu.memory_space<hbm>> -> memref<2x128x128xf32, #tpu.memory_space<hbm>>
        tpu.wait_dma2 semaphore(%run_scoped3A : memref<!tpu.dma_semaphore, #tpu.memory_space<semaphore_mem>>) src(%arg7 : memref<2x128x128xf32, #tpu.memory_space<vmem>>) dst(%dma_wait3A_244 : memref<2x128x128xf32, #tpu.memory_space<hbm>>)
        tpu.yield
      }) : () -> ()
    }
    %scan3A_30 = arith.constant 24 : i32
    %dma_start3A_31 = arith.constant 98 : i32
    %dma_start3A_32 = arith.constant 0 : i32
    %dma_start3A_33 = arith.constant 0 : i32
    %dma_start3A_34 = arith.constant 0 : i32
    %dma_start3A_35 = tpu.memref_slice %arg7[%dma_start3A_32, %dma_start3A_33, %dma_start3A_34] : memref<2x128x128xf32, #tpu.memory_space<vmem>> -> memref<1x128x128xf32, #tpu.memory_space<vmem>>
    %dma_start3A_36 = tpu.memref_squeeze %dma_start3A_35 : memref<1x128x128xf32, #tpu.memory_space<vmem>> -> memref<128x128xf32, #tpu.memory_space<vmem>>
    %dma_start3A_37 = arith.constant 0 : i32
    %dma_start3A_38 = tpu.memref_slice %arg5[%dma_start3A_31, %dma_start3A_37] : memref<100x128xi32, #tpu.memory_space<vmem>> -> memref<1x128xi32, #tpu.memory_space<vmem>>
    %dma_start3A_39 = tpu.memref_squeeze %dma_start3A_38 : memref<1x128xi32, #tpu.memory_space<vmem>> -> memref<128xi32, #tpu.memory_space<vmem>>
    %dma_start3A_40 = arith.constant 0 : i32
    %dma_start3A_41 = arith.constant 0 : i32
    %dma_start3A_42 = tpu.memref_slice %arg3[%dma_start3A_40, %dma_start3A_41] : memref<200000x128xf32, #tpu.memory_space<hbm>> -> memref<200000x128xf32, #tpu.memory_space<hbm>>
    tpu.enqueue_indirect_dma source(%dma_start3A_42 : memref<200000x128xf32, #tpu.memory_space<hbm>>) target(%dma_start3A_36 : memref<128x128xf32, #tpu.memory_space<vmem>>) offsets(%dma_start3A_39 : memref<128xi32, #tpu.memory_space<vmem>>) semaphore(%arg9 : memref<!tpu.dma_semaphore, #tpu.memory_space<semaphore_mem>>)
    %dma_start3A_43 = arith.constant 99 : i32
    %dma_start3A_44 = arith.constant 1 : i32
    %dma_start3A_45 = arith.constant 0 : i32
    %dma_start3A_46 = arith.constant 0 : i32
    %dma_start3A_47 = tpu.memref_slice %arg7[%dma_start3A_44, %dma_start3A_45, %dma_start3A_46] : memref<2x128x128xf32, #tpu.memory_space<vmem>> -> memref<1x128x128xf32, #tpu.memory_space<vmem>>
    %dma_start3A_48 = tpu.memref_squeeze %dma_start3A_47 : memref<1x128x128xf32, #tpu.memory_space<vmem>> -> memref<128x128xf32, #tpu.memory_space<vmem>>
    %dma_start3A_49 = arith.constant 0 : i32
    %dma_start3A_50 = tpu.memref_slice %arg5[%dma_start3A_43, %dma_start3A_49] : memref<100x128xi32, #tpu.memory_space<vmem>> -> memref<1x128xi32, #tpu.memory_space<vmem>>
    %dma_start3A_51 = tpu.memref_squeeze %dma_start3A_50 : memref<1x128xi32, #tpu.memory_space<vmem>> -> memref<128xi32, #tpu.memory_space<vmem>>
    %dma_start3A_52 = arith.constant 0 : i32
    %dma_start3A_53 = arith.constant 0 : i32
    %dma_start3A_54 = tpu.memref_slice %arg3[%dma_start3A_52, %dma_start3A_53] : memref<200000x128xf32, #tpu.memory_space<hbm>> -> memref<200000x128xf32, #tpu.memory_space<hbm>>
    tpu.enqueue_indirect_dma source(%dma_start3A_54 : memref<200000x128xf32, #tpu.memory_space<hbm>>) target(%dma_start3A_48 : memref<128x128xf32, #tpu.memory_space<vmem>>) offsets(%dma_start3A_51 : memref<128xi32, #tpu.memory_space<vmem>>) semaphore(%arg9 : memref<!tpu.dma_semaphore, #tpu.memory_space<semaphore_mem>>)
    %dma_wait3A = arith.constant 96 : i32
    %dma_wait3A_55 = arith.constant 0 : i32
    %dma_wait3A_56 = arith.constant 0 : i32
    %dma_wait3A_57 = arith.constant 0 : i32
    %dma_wait3A_58 = tpu.memref_slice %arg6[%dma_wait3A_55, %dma_wait3A_56, %dma_wait3A_57] : memref<2x128x128xf32, #tpu.memory_space<vmem>> -> memref<1x128x128xf32, #tpu.memory_space<vmem>>
    %dma_wait3A_59 = tpu.memref_squeeze %dma_wait3A_58 : memref<1x128x128xf32, #tpu.memory_space<vmem>> -> memref<128x128xf32, #tpu.memory_space<vmem>>
    %dma_wait3A_60 = arith.constant 0 : i32
    %dma_wait3A_61 = tpu.memref_slice %arg5[%dma_wait3A, %dma_wait3A_60] : memref<100x128xi32, #tpu.memory_space<vmem>> -> memref<1x128xi32, #tpu.memory_space<vmem>>
    %dma_wait3A_62 = tpu.memref_squeeze %dma_wait3A_61 : memref<1x128xi32, #tpu.memory_space<vmem>> -> memref<128xi32, #tpu.memory_space<vmem>>
    %dma_wait3A_63 = arith.constant 0 : i32
    %dma_wait3A_64 = arith.constant 0 : i32
    %dma_wait3A_65 = tpu.memref_slice %arg3[%dma_wait3A_63, %dma_wait3A_64] : memref<200000x128xf32, #tpu.memory_space<hbm>> -> memref<200000x128xf32, #tpu.memory_space<hbm>>
    tpu.wait_indirect_dma semaphore(%arg8 : memref<!tpu.dma_semaphore, #tpu.memory_space<semaphore_mem>>) src(%dma_wait3A_65 : memref<200000x128xf32, #tpu.memory_space<hbm>>) dst(%dma_wait3A_59 : memref<128x128xf32, #tpu.memory_space<vmem>>)
    %dma_wait3A_66 = arith.constant 97 : i32
    %dma_wait3A_67 = arith.constant 1 : i32
    %dma_wait3A_68 = arith.constant 0 : i32
    %dma_wait3A_69 = arith.constant 0 : i32
    %dma_wait3A_70 = tpu.memref_slice %arg6[%dma_wait3A_67, %dma_wait3A_68, %dma_wait3A_69] : memref<2x128x128xf32, #tpu.memory_space<vmem>> -> memref<1x128x128xf32, #tpu.memory_space<vmem>>
    %dma_wait3A_71 = tpu.memref_squeeze %dma_wait3A_70 : memref<1x128x128xf32, #tpu.memory_space<vmem>> -> memref<128x128xf32, #tpu.memory_space<vmem>>
    %dma_wait3A_72 = arith.constant 0 : i32
    %dma_wait3A_73 = tpu.memref_slice %arg5[%dma_wait3A_66, %dma_wait3A_72] : memref<100x128xi32, #tpu.memory_space<vmem>> -> memref<1x128xi32, #tpu.memory_space<vmem>>
    %dma_wait3A_74 = tpu.memref_squeeze %dma_wait3A_73 : memref<1x128xi32, #tpu.memory_space<vmem>> -> memref<128xi32, #tpu.memory_space<vmem>>
    %dma_wait3A_75 = arith.constant 0 : i32
    %dma_wait3A_76 = arith.constant 0 : i32
    %dma_wait3A_77 = tpu.memref_slice %arg3[%dma_wait3A_75, %dma_wait3A_76] : memref<200000x128xf32, #tpu.memory_space<hbm>> -> memref<200000x128xf32, #tpu.memory_space<hbm>>
    tpu.wait_indirect_dma semaphore(%arg8 : memref<!tpu.dma_semaphore, #tpu.memory_space<semaphore_mem>>) src(%dma_wait3A_77 : memref<200000x128xf32, #tpu.memory_space<hbm>>) dst(%dma_wait3A_71 : memref<128x128xf32, #tpu.memory_space<vmem>>)
    "tpu.region"() ({
      %run_scoped3A = tpu.sem_alloc : memref<!tpu.dma_semaphore, #tpu.memory_space<semaphore_mem>>
      %dma_start3A_102 = arith.constant 96 : i32
      %dma_start3A_103 = arith.constant 0 : i32
      %dma_start3A_104 = tpu.memref_slice %arg4[%dma_start3A_102, %mul3A_2, %dma_start3A_103] : memref<100x4096x128xf32, #tpu.memory_space<hbm>> -> memref<2x128x128xf32, #tpu.memory_space<hbm>>
      %dma_start3A_105 = arith.constant 96 : i32
      %dma_start3A_106 = arith.constant 0 : i32
      %dma_start3A_107 = tpu.memref_slice %arg4[%dma_start3A_105, %mul3A_2, %dma_start3A_106] : memref<100x4096x128xf32, #tpu.memory_space<hbm>> -> memref<2x128x128xf32, #tpu.memory_space<hbm>>
      tpu.enqueue_dma source(%arg6 : memref<2x128x128xf32, #tpu.memory_space<vmem>>) target(%dma_start3A_107 : memref<2x128x128xf32, #tpu.memory_space<hbm>>) target_semaphore(%run_scoped3A : memref<!tpu.dma_semaphore, #tpu.memory_space<semaphore_mem>>)
      %dma_wait3A_108 = arith.constant 96 : i32
      %dma_wait3A_109 = arith.constant 0 : i32
      %dma_wait3A_110 = tpu.memref_slice %arg4[%dma_wait3A_108, %mul3A_2, %dma_wait3A_109] : memref<100x4096x128xf32, #tpu.memory_space<hbm>> -> memref<2x128x128xf32, #tpu.memory_space<hbm>>
      %dma_wait3A_111 = arith.constant 96 : i32
      %dma_wait3A_112 = arith.constant 0 : i32
      %dma_wait3A_113 = tpu.memref_slice %arg4[%dma_wait3A_111, %mul3A_2, %dma_wait3A_112] : memref<100x4096x128xf32, #tpu.memory_space<hbm>> -> memref<2x128x128xf32, #tpu.memory_space<hbm>>
      tpu.wait_dma2 semaphore(%run_scoped3A : memref<!tpu.dma_semaphore, #tpu.memory_space<semaphore_mem>>) src(%arg6 : memref<2x128x128xf32, #tpu.memory_space<vmem>>) dst(%dma_wait3A_113 : memref<2x128x128xf32, #tpu.memory_space<hbm>>)
      tpu.yield
    }) : () -> ()
    %dma_wait3A_78 = arith.constant 98 : i32
    %dma_wait3A_79 = arith.constant 0 : i32
    %dma_wait3A_80 = arith.constant 0 : i32
    %dma_wait3A_81 = arith.constant 0 : i32
    %dma_wait3A_82 = tpu.memref_slice %arg7[%dma_wait3A_79, %dma_wait3A_80, %dma_wait3A_81] : memref<2x128x128xf32, #tpu.memory_space<vmem>> -> memref<1x128x128xf32, #tpu.memory_space<vmem>>
    %dma_wait3A_83 = tpu.memref_squeeze %dma_wait3A_82 : memref<1x128x128xf32, #tpu.memory_space<vmem>> -> memref<128x128xf32, #tpu.memory_space<vmem>>
    %dma_wait3A_84 = arith.constant 0 : i32
    %dma_wait3A_85 = tpu.memref_slice %arg5[%dma_wait3A_78, %dma_wait3A_84] : memref<100x128xi32, #tpu.memory_space<vmem>> -> memref<1x128xi32, #tpu.memory_space<vmem>>
    %dma_wait3A_86 = tpu.memref_squeeze %dma_wait3A_85 : memref<1x128xi32, #tpu.memory_space<vmem>> -> memref<128xi32, #tpu.memory_space<vmem>>
    %dma_wait3A_87 = arith.constant 0 : i32
    %dma_wait3A_88 = arith.constant 0 : i32
    %dma_wait3A_89 = tpu.memref_slice %arg3[%dma_wait3A_87, %dma_wait3A_88] : memref<200000x128xf32, #tpu.memory_space<hbm>> -> memref<200000x128xf32, #tpu.memory_space<hbm>>
    tpu.wait_indirect_dma semaphore(%arg9 : memref<!tpu.dma_semaphore, #tpu.memory_space<semaphore_mem>>) src(%dma_wait3A_89 : memref<200000x128xf32, #tpu.memory_space<hbm>>) dst(%dma_wait3A_83 : memref<128x128xf32, #tpu.memory_space<vmem>>)
    %dma_wait3A_90 = arith.constant 99 : i32
    %dma_wait3A_91 = arith.constant 1 : i32
    %dma_wait3A_92 = arith.constant 0 : i32
    %dma_wait3A_93 = arith.constant 0 : i32
    %dma_wait3A_94 = tpu.memref_slice %arg7[%dma_wait3A_91, %dma_wait3A_92, %dma_wait3A_93] : memref<2x128x128xf32, #tpu.memory_space<vmem>> -> memref<1x128x128xf32, #tpu.memory_space<vmem>>
    %dma_wait3A_95 = tpu.memref_squeeze %dma_wait3A_94 : memref<1x128x128xf32, #tpu.memory_space<vmem>> -> memref<128x128xf32, #tpu.memory_space<vmem>>
    %dma_wait3A_96 = arith.constant 0 : i32
    %dma_wait3A_97 = tpu.memref_slice %arg5[%dma_wait3A_90, %dma_wait3A_96] : memref<100x128xi32, #tpu.memory_space<vmem>> -> memref<1x128xi32, #tpu.memory_space<vmem>>
    %dma_wait3A_98 = tpu.memref_squeeze %dma_wait3A_97 : memref<1x128xi32, #tpu.memory_space<vmem>> -> memref<128xi32, #tpu.memory_space<vmem>>
    %dma_wait3A_99 = arith.constant 0 : i32
    %dma_wait3A_100 = arith.constant 0 : i32
    %dma_wait3A_101 = tpu.memref_slice %arg3[%dma_wait3A_99, %dma_wait3A_100] : memref<200000x128xf32, #tpu.memory_space<hbm>> -> memref<200000x128xf32, #tpu.memory_space<hbm>>
    tpu.wait_indirect_dma semaphore(%arg9 : memref<!tpu.dma_semaphore, #tpu.memory_space<semaphore_mem>>) src(%dma_wait3A_101 : memref<200000x128xf32, #tpu.memory_space<hbm>>) dst(%dma_wait3A_95 : memref<128x128xf32, #tpu.memory_space<vmem>>)
    "tpu.region"() ({
      %run_scoped3A = tpu.sem_alloc : memref<!tpu.dma_semaphore, #tpu.memory_space<semaphore_mem>>
      %dma_start3A_102 = arith.constant 98 : i32
      %dma_start3A_103 = arith.constant 0 : i32
      %dma_start3A_104 = tpu.memref_slice %arg4[%dma_start3A_102, %mul3A_2, %dma_start3A_103] : memref<100x4096x128xf32, #tpu.memory_space<hbm>> -> memref<2x128x128xf32, #tpu.memory_space<hbm>>
      %dma_start3A_105 = arith.constant 98 : i32
      %dma_start3A_106 = arith.constant 0 : i32
      %dma_start3A_107 = tpu.memref_slice %arg4[%dma_start3A_105, %mul3A_2, %dma_start3A_106] : memref<100x4096x128xf32, #tpu.memory_space<hbm>> -> memref<2x128x128xf32, #tpu.memory_space<hbm>>
      tpu.enqueue_dma source(%arg7 : memref<2x128x128xf32, #tpu.memory_space<vmem>>) target(%dma_start3A_107 : memref<2x128x128xf32, #tpu.memory_space<hbm>>) target_semaphore(%run_scoped3A : memref<!tpu.dma_semaphore, #tpu.memory_space<semaphore_mem>>)
      %dma_wait3A_108 = arith.constant 98 : i32
      %dma_wait3A_109 = arith.constant 0 : i32
      %dma_wait3A_110 = tpu.memref_slice %arg4[%dma_wait3A_108, %mul3A_2, %dma_wait3A_109] : memref<100x4096x128xf32, #tpu.memory_space<hbm>> -> memref<2x128x128xf32, #tpu.memory_space<hbm>>
      %dma_wait3A_111 = arith.constant 98 : i32
      %dma_wait3A_112 = arith.constant 0 : i32
      %dma_wait3A_113 = tpu.memref_slice %arg4[%dma_wait3A_111, %mul3A_2, %dma_wait3A_112] : memref<100x4096x128xf32, #tpu.memory_space<hbm>> -> memref<2x128x128xf32, #tpu.memory_space<hbm>>
      tpu.wait_dma2 semaphore(%run_scoped3A : memref<!tpu.dma_semaphore, #tpu.memory_space<semaphore_mem>>) src(%arg7 : memref<2x128x128xf32, #tpu.memory_space<vmem>>) dst(%dma_wait3A_113 : memref<2x128x128xf32, #tpu.memory_space<hbm>>)
      tpu.yield
    }) : () -> ()
    return
  }
}

</mosaic_0001>

<sc_bundles>
// kernel: kernel.3.cloned.1.call-start
scs
__scs_entry_jumppad:
0x0: {  	(pc) =	sbr.rel $0x88, $3  }
0x1: {  	(tag) =	ssettag $0x0;
	lr =	simm.s32 $0x1  }
0x2: {  	[smem:$0x3F9F] =	sst lr;
	_ =	strace $0xD0000000  }
0x3: {  	_ = 	snop  }
0x4: {  	_ = 	snop  }
0x5: {  	_ = 	snop  }
0x6: {  	_ = 	snop  }
0x7: {  	_ = 	snop  }
__scs_overlays_trampoline_lowered:
0x8: {  	[smem:$0x3FAE] =	sst s0  }
0x9: {  	[smem:$0x3FAF] =	sst s1  }
0xa: {  	[smem:$0x3FB0] =	sst s2  }
0xb: {  	[smem:$0x3FB1] =	sst s3  }
0xc: {  	[smem:$0x3FB2] =	sst s4  }
0xd: {  	[smem:$0x3FB3] =	sst s5  }
0xe: {  	[smem:$0x3FB4] =	sst s6  }
0xf: {  	[smem:$0x3FB5] =	sst s7  }
0x10: {  	[smem:$0x3FB6] =	sst s8  }
0x11: {  	[smem:$0x3FB7] =	sst s9;
	s0 =	simm.s32 @!p0 $0x0  }
0x12: {  	s1 =	sld [smem:$0x3F9D];
	s0 =	simm.s32 @p0 $0x1  }
0x13: {  	[smem:$0x3FB8] =	sst s0;
	s0 =	simm.s32 @!p1 $0x0  }
0x14: {  	s2 =	sld [smem:$0x3F9C];
	s0 =	simm.s32 @p1 $0x1  }
0x15: {  	[smem:$0x3FB9] =	sst s0;
	s0 =	simm.s32 @!p2 $0x0  }
0x16: {  	s3 =	sld [smem:$0x3FDB];
	s0 =	simm.s32 @p2 $0x1  }
0x17: {  	s4 =	simm.s32 $0x1BF5;
	[smem:$0x3FBB] =	sst s0  }
0x18: {  	s0 =	sld [smem:$0x3F9E];
	_ =	swait.ge [sflag:s4], $0x0  }
0x19: {  	s7 =	sld [smem:$0x3F9F]  }
0x1a: {  	s8 =	sadd.s32 $0xFFFFE003, lr  }
0x1b: {  	s9 =	sadd.s32 $0xFFFFFEF7, lr;
	s5 =	simm.s32 $0xFFFFFFFF;
	p2 =	slt.u32 s8, $0xFFFFF086  }
0x1c: {  	p1 =	slt.u32 s9, $0xF7A;
	s5 =	simm.s32 @!p2 $0x0  }
0x1d: {  	s5 =	simm.s32 @p1 $0x1;
	p0 =	seq.s32 s7, s2  }
0x1e: {  	s7 =	smul.u32 @!p0 $0xF7A, s2;
	p2 =	seq.s32 @!p0 s5, $0x0  }
0x1f: {  	s9 =	smul.u32 $0xF7A, s1;
	s8 =	simm.s32 @!p0 $0x1BF5;
	p2 =	por !p2, p0  }
0x20: {  	[sflag:s8] =	ssyncset.s32 @!p0 $0xFFFFF086;
	s6 =	sadd.s32 @!p0 s3, s7;
	s7 =	simm.s32 @!p0 $0x108  }
0x21: {  	s3 =	sadd.s32 s3, s9;
	s6 =	sadd.s32 @!p0 $0x88, s6;
	s7 =	simm.s32 @p2 $0x1082  }
0x22: {  	[simem:s7], [sflag:s8] =	dma.local @!p0 [hbm:s6], $0xF7A  }
0x23: {  	s9 =	sor.u32 $0xD0000000, s2;
	s6 =	simm.s32 $0x108;
	_ =	swait.ge @!p0 [sflag:s8], $0x0  }
0x24: {  	s3 =	sadd.s32 $0x88, s3;
	s6 =	simm.s32 @!p1 $0x1082;
	[sflag:s4] =	ssyncset.s32 $0xFFFFF086  }
0x25: {  	[simem:s6], [sflag:s4] =	dma.local [hbm:s3], $0xF7A  }
0x26: {  	[smem:$0x3F9F] =	sst s1;
	(tag) =	ssettag s2;
	_ =	strace s9  }
0x27: {  	s1 =	sld [smem:$0x3FAF]  }
0x28: {  	s2 =	sld [smem:$0x3FB0]  }
0x29: {  	s4 =	sld [smem:$0x3FB2]  }
0x2a: {  	p0 =	seq.s32 s5, $0x0;
	s5 =	sld [smem:$0x3FB3]  }
0x2b: {  	s6 =	sld [smem:$0x3FB4]  }
0x2c: {  	s7 =	sld [smem:$0x3FB5]  }
0x2d: {  	s3 =	simm.s32 $0x108;
	s8 =	sld [smem:$0x3FB6]  }
0x2e: {  	s3 =	simm.s32 @!p0 $0x1082;
	s9 =	sld [smem:$0x3FB7]  }
0x2f: {  	lr =	sadd.s32 s0, s3;
	s0 =	sld [smem:$0x3FAE]  }
0x30: {  	s3 =	sld [smem:$0x3FB1]  }
0x31: {  	[smem:$0x3FBA] =	sst s10  }
0x32: {  	s10 =	sld [smem:$0x3FB8];
	_ =	sdelay $0x3  }
0x33: {  	p0 =	seq.s32 s10, $0x1;
	s10 =	sld [smem:$0x3FBA];
	_ =	sdelay $0x3  }
0x34: {  	[smem:$0x3FBA] =	sst s10  }
0x35: {  	s10 =	sld [smem:$0x3FB9];
	_ =	sdelay $0x3  }
0x36: {  	p1 =	seq.s32 s10, $0x1;
	s10 =	sld [smem:$0x3FBA];
	_ =	sdelay $0x3  }
0x37: {  	[smem:$0x3FBA] =	sst s10  }
0x38: {  	s10 =	sld [smem:$0x3FBB]  }
0x39: {  	_ = 	snop;
	(pc) =	sbr.ind lr, $3  }
0x3a: {  	_ = 	snop  }
0x3b: {  	_ = 	snop  }
0x3c: {  	p2 =	seq.s32 s10, $0x1;
	s10 =	sld [smem:$0x3FBA]  }
0x3d: {  	_ =	shalt  }
0x3e: {  	_ =	shalt  }
0x3f: {  	_ =	shalt  }
0x40: {  	_ =	shalt  }
0x41: {  	_ =	shalt  }
0x42: {  	_ =	shalt  }
0x43: {  	_ =	shalt  }
0x44: {  	_ =	shalt  }
0x45: {  	_ =	shalt  }
0x46: {  	_ =	shalt  }
0x47: {  	_ =	shalt  }
0x48: {  	_ =	shalt  }
0x49: {  	_ =	shalt  }
0x4a: {  	_ =	shalt  }
0x4b: {  	_ =	shalt  }
0x4c: {  	_ =	shalt  }
0x4d: {  	_ =	shalt  }
0x4e: {  	_ =	shalt  }
0x4f: {  	_ =	shalt  }
0x50: {  	_ =	shalt  }
0x51: {  	_ =	shalt  }
0x52: {  	_ =	shalt  }
0x53: {  	_ =	shalt  }
0x54: {  	_ =	shalt  }
0x55: {  	_ =	shalt  }
0x56: {  	_ =	shalt  }
0x57: {  	_ =	shalt  }
0x58: {  	_ =	shalt  }
0x59: {  	_ =	shalt  }
0x5a: {  	_ =	shalt  }
0x5b: {  	_ =	shalt  }
0x5c: {  	_ =	shalt  }
0x5d: {  	_ =	shalt  }
0x5e: {  	_ =	shalt  }
0x5f: {  	_ =	shalt  }
0x60: {  	_ =	shalt  }
0x61: {  	_ =	shalt  }
0x62: {  	_ =	shalt  }
0x63: {  	_ =	shalt  }
0x64: {  	_ =	shalt  }
0x65: {  	_ =	shalt  }
0x66: {  	_ =	shalt  }
0x67: {  	_ =	shalt  }
0x68: {  	_ =	shalt  }
0x69: {  	_ =	shalt  }
0x6a: {  	_ =	shalt  }
0x6b: {  	_ =	shalt  }
0x6c: {  	_ =	shalt  }
0x6d: {  	_ =	shalt  }
0x6e: {  	_ =	shalt  }
0x6f: {  	_ =	shalt  }
0x70: {  	_ =	shalt  }
0x71: {  	_ =	shalt  }
0x72: {  	_ =	shalt  }
0x73: {  	_ =	shalt  }
0x74: {  	_ =	shalt  }
0x75: {  	_ =	shalt  }
0x76: {  	_ =	shalt  }
0x77: {  	_ =	shalt  }
0x78: {  	_ =	shalt  }
0x79: {  	_ =	shalt  }
0x7a: {  	_ =	shalt  }
0x7b: {  	_ =	shalt  }
0x7c: {  	_ =	shalt  }
0x7d: {  	_ =	shalt  }
0x7e: {  	_ =	shalt  }
0x7f: {  	_ =	shalt  }
0x80: {  	_ =	shalt  }
0x81: {  	_ =	shalt  }
0x82: {  	_ =	shalt  }
0x83: {  	_ =	shalt  }
0x84: {  	_ =	shalt  }
0x85: {  	_ =	shalt  }
0x86: {  	_ =	shalt  }
0x87: {  	_ =	shalt  }
.Lfunc_end0:
.L_simem_size_0:
called_computation_lowered:
.L_overlay_start_0:
0x88: {  	s2 =	sld [smem:$0x3FD9]  }
0x89: {  	s3 =	sld [smem:$0x3FFE];
	_ =	sdelay $0x1  }
0x8a: {  	s1 =	srdreg.scid  }
0x8b: {  	s0 =	sand.u32 $0x1, s1  }
0x8c: {  	s18 =	sshll.u32 s0, $0xA;
	s2 =	sadd.s32 s3, s2  }
0x8d: {  	s2 =	sadd.s32 s2, s18  }
0x8e: {  	[smem:$0x3FC6] =	sst s2  }
0x8f: {  	_ = 	snop  }
0x90: {  	s2 =	sld [smem:$0x3FC9]  }
0x91: {  	s19 =	sld [smem:$0x3FC8]  }
0x92: {  	s4 =	sld [smem:$0x3FD0];
	(tm) =	ssettm $0x1  }
0x93: {  	s5 =	sld [smem:$0x3FFB];
	_ =	sdelay $0x3  }
0x94: {  	_ =	strace s5  }
0x95: {  	s5 =	sld [smem:$0x3FFC];
	_ =	sdelay $0x3  }
0x96: {  	_ =	strace s5  }
0x97: {  	s5 =	sld [smem:$0x3FFD];
	_ =	sdelay $0x3  }
0x98: {  	_ =	strace s5  }
0x99: {  	_ =	strace $0x8FFFFFFF  }
0x9a: {  	s20 =	sld [smem:$0x3FDB];
	_ =	sdelay $0x1  }
0x9b: {  	s6 =	simm.s32 $_scs_section_size  }
0x9c: {  	s7 =	simm.s32 $_size__tile_overlayer_lowered;
	s8 =	simm.s32 $_tile_overlayer_lowered  }
0x9d: {  	s23 =	simm.s32 $0x1BFF;
	s22 =	sshll.u32 s8, $0x1;
	s5 =	sadd.s32 s6, s20  }
0x9e: {  	s9 =	simm.s32 $0x0;
	s21 =	sshll.u32 s7, $0x1;
	s7 =	sadd.s32 s22, s5  }
0x9f: {  	[timem:s9], [sflag:s23] =	dma.local [hbm:s7], s21  }
0xa0: {  	_ =	swait.ge [sflag:s23], s21  }
0xa1: {  	s6 =	ssub.s32 $0x0, s21;
	[sflag:s23] =	ssyncset.done $0x0  }
0xa2: {  	[sflag:s23] =	ssyncadd.s32 s6;
	_ =	sdelay $0x1  }
0xa3: {  	s24 =	simm.s32 $0x1B8B  }
0xa4: {  	_ =	swait.ge [sflag:s24], $0x1  }
0xa5: {  	[sflag:s24] =	ssyncset.done $0x0  }
0xa6: {  	s25 =	simm.s32 $0x1B8E;
	[sflag:s24] =	ssyncadd.s32 $0xFFFFFFFF  }
0xa7: {  	s26 =	simm.s32 $execute0_lowered;
	[smem:$0x3FD2] =	sst s25  }
0xa8: {  	s6 =	sshll.u32 s26, $0x1;
	_ =	strace $0x80000046;
	[dreg:$0x1] =	wrdreg $0xFFFFFFFF  }
0xa9: {  	s28 =	simm.s32 $_size_execute0_lowered;
	s5 =	sadd.s32 s5, s6;
	[dreg:$0x0] =	wrdreg $0x0  }
0xaa: {  	s6 =	sshll.u32 s28, $0x1;
	[dreg:$0x2] =	wrdreg s5  }
0xab: {  	[dreg:$0x3] =	wrdreg s6  }
0xac: {  	[dreg:$0x4] =	wrdreg $0xC0  }
0xad: {  	_ =	task [dreg:s9], $0x5FFFF  }
0xae: {  	[dreg:$0x1] =	wrdreg $0xFFFFFFFF  }
0xaf: {  	[dreg:$0x0] =	wrdreg $0x60  }
0xb0: {  	[dreg:$0x2] =	wrdreg s2  }
0xb1: {  	[dreg:$0x3] =	wrdreg s19  }
0xb2: {  	[dreg:$0x4] =	wrdreg s4  }
0xb3: {  	[dreg:$0x5] =	wrdreg $0x9  }
0xb4: {  	_ =	task.clear_ibuf [dreg:s9], $0x6FFFF;
	_ =	strace $0x90000046  }
0xb5: {  	s29 =	simm.s32 $0x9;
	_ =	strace $0x80000048  }
0xb6: {  	_ =	swait.ge [sflag:s29], $0x1  }
0xb7: {  	[sflag:s29] =	ssyncadd.s32 $0xFFFFFFFF  }
0xb8: {  	_ =	strace $0x90000048  }
0xb9: {  	_ =	sfence  }
0xba: {  	s30 =	sld [smem:$0x0];
	_ =	sdelay $0x2  }
0xbb: {  	s31 =	sshll.u32 s1, $0xD;
	s1 =	sshrl.u32 s1, $0x2  }
0xbc: {  	s3 =	sand.u32 $0x4000, s31;
	s1 =	sadd.s32 s1, s30  }
0xbd: {  	s0 =	sor.u32 s3, s0;
	s1 =	sshll.u32 s1, $0x11  }
0xbe: {  	s0 =	sor.u32 s1, s0  }
0xbf: {  	s0 =	sadd.s32 $0x8F2B, s0  }
0xc0: {  	[sflag:s0] =	ssyncadd.remote.s32 $0x1  }
0xc1: {  	_ =	sfence.sel $0xFFFF  }
0xc2: {  	[dreg:$0x0] =	wrdreg $0xFFFFFFFF;
	(pc) =	sbr.abs _section_cstart, $3  }
0xc3: {  	[dreg:$0x1] =	wrdreg $0xFFFFFFFF  }
0xc4: {  	_ =	task.clear_ibuf [dreg:s9], $0x2FFFF;
	_ =	strace $0x9FFFFFFF  }
0xc5: {  	(tm) =	ssettm $0x7FFFFFFF  }
tec
execute0_lowered:
.L_overlay_start_1:
0x0: {  	(tag) =	ssettag $0x1  }
0x1: {  	s4 =	rddreg [dreg:$0x0]  }
0x2: {  	s1 =	rddreg [dreg:$0x1]  }
0x3: {  	s10 =	rddreg [dreg:$0x2]  }
0x4: {  	s5 =	srdreg.scid;
	s3 =	simm.s32 $0x0;
	s0 =	stileid.u32  }
0x5: {  	s12 =	simm.s32 $0x8000;
	s13 =	simm.s32 $0x3000;
	s14 =	simm.s32 $0x3  }
0x6: {  	s15 =	simm.s32 $0x80;
	s16 =	simm.s32 $0x3400;
	s17 =	simm.s32 $0x7400  }
0x7: {  	s18 =	simm.s32 $0xB400;
	s19 =	simm.s32 $0xF400;
	s20 =	simm.s32 $0x1  }
0x8: {  	s21 =	simm.s32 $0x4000;
	s22 =	simm.s32 $0x80000;
	s23 =	simm.s32 $0x2  }
0x9: {  	s24 =	simm.s32 $0x3100;
	s25 =	simm.s32 $0x3180;
	s5 =	sand.u32 $0x1, s5  }
0xa: {  	s7 =	sshll.u32 s0, $0x8;
	[smem:$0x7FF] =	sst s3;
	s29 =	sshll.u32 s0, $0xF  }
0xb: {  	s6 =	ssub.s32 $0x2, s5;
	s8 =	sshll.u32 s5, $0x7;
	_ =	strace $0x80000047  }
0xc: {  	s30 =	sshll.u32 s5, $0xE;
	s9 =	sshrl.u32 s6, $0x1;
	s7 =	sor.u32 s8, s7  }
0xd: {  	s26 =	ssub.s32 s6, s9;
	s4 =	sadd.s32 s4, s7;
	s28 =	sshll.u32 s7, $0x4  }
0xe: {  	s9 =	sor.u32 s30, s29;
	s5 =	sadd.s32 $0xC000, s4;
	s11 =	sadd.s32 s28, s10  }
0xf: {  	s31 =	sor.u32 $0x100000, s9;
	s8 =	smax.u32 s26, $0x1;
	s9 =	sshrl.u32 s9, $0x3  }
0x10: {  	s6 =	sadd.s32 $0x600000, s11;
	s7 =	sadd.s32 $0x620000, s11;
	s11 =	sshrl.u32 s31, $0x3  }
0x11: {  	s26 =	simm.s32 $0x0;
	s9 =	sadd.s32 s9, s10;
	s10 =	sadd.s32 s11, s10  }
.LBB2_1:
0x12: {  	s0 =	simm.s32 $0x400  }
0x13: {  	[tilespmem:s3], [sflag:$0x3] =	stream.strided.gather [hbm4b:s4+s0], $0x3000, s12, s0, $0x38;
	[tilespmem:$0x13400] =	vst v63  }
0x14: {  	_ = 	snop  }
0x15: {  	[tilespmem:s13], [sflag:$0x3] =	stream.linear.gather [hbm4b:s5+s3], $0x200, $0x38;
	[tilespmem:$0x13400] =	vst v63  }
0x16: {  	_ =	swait.ge [sflag:s14], $0x3200  }
0x17: {  	[sflag:s14] =	ssyncset.done $0x0  }
0x18: {  	[sflag:s14] =	ssyncadd.s32 $0xFFFFCE00  }
0x19: {  	[tilespmem:s16], [sflag:$0x1] =	stream.indirect.gather [hbm4b:s1+s15], $0x80, s3, s15, $0xb8;
	[tilespmem:$0x13400] =	vst v63  }
0x1a: {  	_ = 	snop  }
0x1b: {  	[tilespmem:s17], [sflag:$0x1] =	stream.indirect.gather [hbm4b:s1+s15], $0x80, s15, s15, $0xb8;
	[tilespmem:$0x13400] =	vst v63  }
0x1c: {  	s28 =	simm.s32 $0x100  }
0x1d: {  	[tilespmem:s18], [sflag:$0x2] =	stream.indirect.gather [hbm4b:s1+s15], $0x80, s28, s15, $0xb8;
	[tilespmem:$0x13400] =	vst v63  }
0x1e: {  	s28 =	simm.s32 $0x180  }
0x1f: {  	[tilespmem:s19], [sflag:$0x2] =	stream.indirect.gather [hbm4b:s1+s15], $0x80, s28, s15, $0xb8;
	[tilespmem:$0x13400] =	vst v63  }
0x20: {  	_ =	swait.ge [sflag:s20], $0x4000  }
0x21: {  	[sflag:s20] =	ssyncset.done $0x0  }
0x22: {  	[sflag:s20] =	ssyncadd.s32 $0xFFFFC000  }
0x23: {  	_ =	swait.ge [sflag:s20], $0x4000  }
0x24: {  	[sflag:s20] =	ssyncset.done $0x0  }
0x25: {  	[sflag:s20] =	ssyncadd.s32 $0xFFFFC000  }
0x26: {  	[hbm4b:s9+s21] =	stream.strided.scatter [tilespmem:s16], [sflag:$0x3], $0x8000, s22, s21, $0x38;
	[tilespmem:$0x13400] =	vst v63  }
0x27: {  	_ =	swait.ge [sflag:s14], $0x8000  }
0x28: {  	[sflag:s14] =	ssyncset.done $0x0  }
0x29: {  	s28 =	simm.s32 $0x200;
	[sflag:s14] =	ssyncadd.s32 $0xFFFF8000  }
0x2a: {  	[tilespmem:s16], [sflag:$0x1] =	stream.indirect.gather [hbm4b:s1+s15], $0x80, s28, s15, $0xb8;
	[tilespmem:$0x13400] =	vst v63  }
0x2b: {  	s28 =	simm.s32 $0x280  }
0x2c: {  	[tilespmem:s17], [sflag:$0x1] =	stream.indirect.gather [hbm4b:s1+s15], $0x80, s28, s15, $0xb8;
	[tilespmem:$0x13400] =	vst v63  }
0x2d: {  	_ =	swait.ge [sflag:s23], $0x4000  }
0x2e: {  	[sflag:s23] =	ssyncset.done $0x0  }
0x2f: {  	[sflag:s23] =	ssyncadd.s32 $0xFFFFC000  }
0x30: {  	_ =	swait.ge [sflag:s23], $0x4000  }
0x31: {  	[sflag:s23] =	ssyncset.done $0x0  }
0x32: {  	[sflag:s23] =	ssyncadd.s32 $0xFFFFC000  }
0x33: {  	[hbm4b:s10+s21] =	stream.strided.scatter [tilespmem:s18], [sflag:$0x3], $0x8000, s22, s21, $0x38;
	[tilespmem:$0x13400] =	vst v63  }
0x34: {  	s31 =	simm.s32 $0x1000;
	s30 =	simm.s32 $0x200;
	_ =	swait.ge [sflag:s14], $0x8000  }
0x35: {  	s29 =	sadd.s32 $0x40000, s9;
	s28 =	sadd.s32 $0x40000, s10;
	[sflag:s14] =	ssyncset.done $0x0  }
.LBB2_2:
0x36: {  	s0 =	sadd.s32 $0x100, s30  }
0x37: {  	[sflag:s14] =	ssyncadd.s32 $0xFFFF8000;
	s2 =	smov.u32 s31;
	s11 =	sadd.s32 $0x800, s31  }
0x38: {  	[tilespmem:s18], [sflag:$0x2] =	stream.indirect.gather [hbm4b:s1+s15], $0x80, s0, s15, $0xb8;
	[tilespmem:$0x13400] =	vst v63  }
0x39: {  	p0 =	sne.s32 s31, $0xB800;
	s0 =	sadd.s32 $0x180, s30  }
0x3a: {  	[tilespmem:s19], [sflag:$0x2] =	stream.indirect.gather [hbm4b:s1+s15], $0x80, s0, s15, $0xb8;
	[tilespmem:$0x13400] =	vst v63  }
0x3b: {  	_ =	swait.ge [sflag:s20], $0x4000  }
0x3c: {  	[sflag:s20] =	ssyncset.done $0x0  }
0x3d: {  	[sflag:s20] =	ssyncadd.s32 $0xFFFFC000  }
0x3e: {  	_ =	swait.ge [sflag:s20], $0x4000  }
0x3f: {  	[sflag:s20] =	ssyncset.done $0x0  }
0x40: {  	[sflag:s20] =	ssyncadd.s32 $0xFFFFC000  }
0x41: {  	[hbm4b:s29+s21] =	stream.strided.scatter [tilespmem:s16], [sflag:$0x3], $0x8000, s22, s21, $0x38;
	[tilespmem:$0x13400] =	vst v63  }
0x42: {  	_ =	swait.ge [sflag:s14], $0x8000  }
0x43: {  	[sflag:s14] =	ssyncset.done $0x0  }
0x44: {  	s0 =	sadd.s32 $0x200, s30;
	[sflag:s14] =	ssyncadd.s32 $0xFFFF8000  }
0x45: {  	[tilespmem:s16], [sflag:$0x1] =	stream.indirect.gather [hbm4b:s1+s15], $0x80, s0, s15, $0xb8;
	[tilespmem:$0x13400] =	vst v63  }
0x46: {  	s0 =	sadd.s32 $0x280, s30  }
0x47: {  	[tilespmem:s17], [sflag:$0x1] =	stream.indirect.gather [hbm4b:s1+s15], $0x80, s0, s15, $0xb8;
	[tilespmem:$0x13400] =	vst v63  }
0x48: {  	_ =	swait.ge [sflag:s23], $0x4000  }
0x49: {  	[sflag:s23] =	ssyncset.done $0x0  }
0x4a: {  	[sflag:s23] =	ssyncadd.s32 $0xFFFFC000  }
0x4b: {  	_ =	swait.ge [sflag:s23], $0x4000  }
.Ltmp0:
0x4c: {  	[sflag:s23] =	ssyncset.done $0x0;
	(pc) =	sbr.rel @p0 .LBB2_2-.Ltmp0, $4  }
0x4d: {  	[sflag:s23] =	ssyncadd.s32 $0xFFFFC000  }
0x4e: {  	[hbm4b:s28+s21] =	stream.strided.scatter [tilespmem:s18], [sflag:$0x3], $0x8000, s22, s21, $0x38;
	[tilespmem:$0x13400] =	vst v63  }
0x4f: {  	s31 =	smov.u32 s11;
	s28 =	sadd.s32 $0x40000, s28;
	_ =	swait.ge [sflag:s14], $0x8000  }
0x50: {  	s29 =	sadd.s32 $0x40000, s29;
	s30 =	sshra.s32 s2, $0x2;
	[sflag:s14] =	ssyncset.done $0x0  }
0x51: {  	s0 =	sadd.s32 $0x100, s30;
	[sflag:s14] =	ssyncadd.s32 $0xFFFF8000  }
0x52: {  	[tilespmem:s18], [sflag:$0x2] =	stream.indirect.gather [hbm4b:s1+s15], $0x80, s0, s15, $0xb8;
	[tilespmem:$0x13400] =	vst v63  }
0x53: {  	s11 =	sadd.s32 $0x180, s30  }
0x54: {  	[tilespmem:s19], [sflag:$0x2] =	stream.indirect.gather [hbm4b:s1+s15], $0x80, s11, s15, $0xb8;
	[tilespmem:$0x13400] =	vst v63  }
0x55: {  	_ =	swait.ge [sflag:s20], $0x4000  }
0x56: {  	[sflag:s20] =	ssyncset.done $0x0  }
0x57: {  	[sflag:s20] =	ssyncadd.s32 $0xFFFFC000  }
0x58: {  	_ =	swait.ge [sflag:s20], $0x4000  }
0x59: {  	[sflag:s20] =	ssyncset.done $0x0  }
0x5a: {  	[sflag:s20] =	ssyncadd.s32 $0xFFFFC000  }
0x5b: {  	[hbm4b:s29+s21] =	stream.strided.scatter [tilespmem:s16], [sflag:$0x3], $0x8000, s22, s21, $0x38;
	[tilespmem:$0x13400] =	vst v63  }
0x5c: {  	_ =	swait.ge [sflag:s14], $0x8000  }
0x5d: {  	[sflag:s14] =	ssyncset.done $0x0  }
0x5e: {  	s29 =	sadd.s32 $0x200, s30;
	[sflag:s14] =	ssyncadd.s32 $0xFFFF8000  }
0x5f: {  	[tilespmem:s16], [sflag:$0x1] =	stream.indirect.gather [hbm4b:s1+s15], $0x80, s29, s15, $0xb8;
	[tilespmem:$0x13400] =	vst v63  }
0x60: {  	s31 =	sadd.s32 $0x280, s30  }
0x61: {  	[tilespmem:s17], [sflag:$0x1] =	stream.indirect.gather [hbm4b:s1+s15], $0x80, s31, s15, $0xb8;
	[tilespmem:$0x13400] =	vst v63  }
0x62: {  	_ =	swait.ge [sflag:s23], $0x4000  }
0x63: {  	[sflag:s23] =	ssyncset.done $0x0  }
0x64: {  	[sflag:s23] =	ssyncadd.s32 $0xFFFFC000  }
0x65: {  	_ =	swait.ge [sflag:s23], $0x4000  }
0x66: {  	[sflag:s23] =	ssyncset.done $0x0  }
0x67: {  	[sflag:s23] =	ssyncadd.s32 $0xFFFFC000  }
0x68: {  	[hbm4b:s28+s21] =	stream.strided.scatter [tilespmem:s18], [sflag:$0x3], $0x8000, s22, s21, $0x38;
	[tilespmem:$0x13400] =	vst v63  }
0x69: {  	_ =	swait.ge [sflag:s14], $0x8000  }
0x6a: {  	[sflag:s14] =	ssyncset.done $0x0  }
0x6b: {  	[sflag:s14] =	ssyncadd.s32 $0xFFFF8000  }
0x6c: {  	[tilespmem:s18], [sflag:$0x2] =	stream.indirect.gather [hbm4b:s1+s15], $0x80, s24, s15, $0xb8;
	[tilespmem:$0x13400] =	vst v63  }
0x6d: {  	_ = 	snop  }
0x6e: {  	[tilespmem:s19], [sflag:$0x2] =	stream.indirect.gather [hbm4b:s1+s15], $0x80, s25, s15, $0xb8;
	[tilespmem:$0x13400] =	vst v63  }
0x6f: {  	_ =	swait.ge [sflag:s20], $0x4000  }
0x70: {  	[sflag:s20] =	ssyncset.done $0x0  }
0x71: {  	[sflag:s20] =	ssyncadd.s32 $0xFFFFC000  }
0x72: {  	_ =	swait.ge [sflag:s20], $0x4000  }
0x73: {  	[sflag:s20] =	ssyncset.done $0x0  }
0x74: {  	[sflag:s20] =	ssyncadd.s32 $0xFFFFC000  }
0x75: {  	[hbm4b:s6+s21] =	stream.strided.scatter [tilespmem:s16], [sflag:$0x3], $0x8000, s22, s21, $0x38;
	[tilespmem:$0x13400] =	vst v63  }
0x76: {  	_ =	swait.ge [sflag:s14], $0x8000  }
0x77: {  	[sflag:s14] =	ssyncset.done $0x0  }
0x78: {  	[sflag:s14] =	ssyncadd.s32 $0xFFFF8000  }
0x79: {  	_ =	swait.ge [sflag:s23], $0x4000  }
0x7a: {  	[sflag:s23] =	ssyncset.done $0x0  }
0x7b: {  	[sflag:s23] =	ssyncadd.s32 $0xFFFFC000  }
0x7c: {  	s26 =	sadd.s32 $0x1, s26;
	_ =	swait.ge [sflag:s23], $0x4000  }
0x7d: {  	p0 =	sne.s32 s26, s8;
	[sflag:s23] =	ssyncset.done $0x0  }
.Ltmp1:
0x7e: {  	[sflag:s23] =	ssyncadd.s32 $0xFFFFC000;
	(pc) =	sbr.rel @p0 .LBB2_1-.Ltmp1, $4  }
0x7f: {  	[hbm4b:s7+s21] =	stream.strided.scatter [tilespmem:s18], [sflag:$0x3], $0x8000, s22, s21, $0x38;
	[tilespmem:$0x13400] =	vst v63  }
0x80: {  	_ =	swait.ge [sflag:s14], $0x8000  }
0x81: {  	[sflag:s14] =	ssyncset.done $0x0  }
0x82: {  	[sflag:s14] =	ssyncadd.s32 $0xFFFF8000  }
0x83: {  	_ =	sfence.sel $0x180000  }
0x84: {  	[bflag:$0x0] =	sbarrier.arrive $0xFFFF  }
0x85: {  	_ =	strace $0x90000047  }
0x86: {  	s0 =	stileid.u32;
	[bflag:$0x2] =	sbarrier.arrive $0xFFFF  }
0x87: {  	p0 =	sne.s32 s0, $0x0;
	s0 =	rddreg [dreg:$0x3]  }
0x88: {  	s0 =	sadd.s32 @!p0 $0x100000, s0  }
0x89: {  	[sflag:s0] =	ssyncadd.tile.s32 @!p0 $0x1;
	_ =	shalt  }
.Lfunc_end2:
_tile_overlayer_lowered:
.L_overlay_start_2:
0x8a: {  	(tag) =	ssettag $0x2  }
0x8b: {  	s0 =	rddreg [dreg:$0x0];
	s2 =	stileid.u32  }
0x8c: {  	s1 =	rddreg [dreg:$0x1];
	p0 =	sne.s32 s2, $0x0  }
0x8d: {  	s3 =	rddreg [dreg:$0x2];
	[bflag:$0x3] =	sbarrier.arrive $0xFFFF;
	s2 =	simm.s32 @!p0 $0x1C03  }
0x8e: {  	[timem:s3], [sflag:s2] =	dma.local @!p0 [hbm:s0], s1  }
0x8f: {  	s0 =	simm.s32 @!p0 $0x3  }
0x90: {  	_ =	swait.ge @!p0 [sflag:s0], s1  }
0x91: {  	s1 =	ssub.s32 @!p0 $0x0, s1;
	[sflag:s0] =	ssyncset.done @!p0 $0x0  }
0x92: {  	[sflag:s0] =	ssyncadd.s32 @!p0 s1  }
0x93: {  	[bflag:$0x3] =	sbarrier.arrive $0xFFFF  }
0x94: {  	_ =	shalt  }

</sc_bundles>
